<compile_context>
chip_gen: v7x
topology: tpu7x:2x2x1
jax: 0.10.2.dev20260603
libtpu: 0.0.44.dev20260713+nightly
codegen_flags: <defaults>
</compile_context>

<pallas_src>
import functools

import jax
import jax.numpy as jnp
from jax import lax
from jax.experimental import pallas as pl
from jax.experimental.pallas import tpu as pltpu
from jax.experimental.pallas import tpu_sc as plsc

D_MODEL = 128
CHUNK = 128
NBUF = 5


@functools.cache
def _make_lookup(n_total: int, d_model: int):
    info = plsc.get_sparse_core_info()
    nc, ns = info.num_cores, info.num_subcores
    nw = nc * ns
    assert n_total % (nw * CHUNK * NBUF) == 0
    n_per_w = n_total // nw
    n_chunks = n_per_w // CHUNK
    n_rounds = n_chunks // NBUF
    mesh = plsc.VectorSubcoreMesh(core_axis_name="c", subcore_axis_name="s")

    @functools.partial(
        pl.kernel,
        mesh=mesh,
        out_type=jax.ShapeDtypeStruct((n_total, d_model), jnp.float32),
        scratch_types=[
            pltpu.VMEM((n_chunks, CHUNK), jnp.int32),
            *(pltpu.VMEM((CHUNK, d_model), jnp.float32) for _ in range(NBUF)),
            *(pltpu.SemaphoreType.DMA for _ in range(2 * NBUF)),
        ],
    )
    def lookup(table_hbm, idx_hbm, out_hbm, idx_v, *bufs_and_sems):
        rows = bufs_and_sems[:NBUF]
        gsem = bufs_and_sems[NBUF : 2 * NBUF]
        ssem = bufs_and_sems[2 * NBUF :]
        wid = lax.axis_index("s") * nc + lax.axis_index("c")
        base_w = wid * n_per_w

        def gather(g, b):
            return pltpu.make_async_copy(table_hbm.at[idx_v.at[g]], rows[b], gsem[b])

        def store(g, b):
            return pltpu.make_async_copy(
                rows[b], out_hbm.at[pl.ds(base_w + g * CHUNK, CHUNK)], ssem[b]
            )

        head = 8
        pltpu.sync_copy(
            idx_hbm.at[pl.ds(wid * n_chunks, head)], idx_v.at[pl.ds(0, head)]
        )
        for b in range(NBUF):
            gather(b, b).start()
        pltpu.sync_copy(
            idx_hbm.at[pl.ds(wid * n_chunks + head, n_chunks - head)],
            idx_v.at[pl.ds(head, n_chunks - head)],
        )

        def body(r, carry):
            g0 = r * NBUF
            for b in range(NBUF):
                gather(g0 + b, b).wait()
                store(g0 + b, b).start()
            for b in range(NBUF):
                g_next = g0 + b + NBUF

                @pl.when(r < n_rounds - 1)
                def _():
                    store(g0 + b, b).wait()
                    gather(g_next, b).start()

            return carry

        lax.fori_loop(0, n_rounds, body, 0)

        for b in range(NBUF):
            store(n_chunks - NBUF + b, b).wait()

    return lookup


def kernel(token_ids, weight):
    b, l = token_ids.shape
    idx_2d = token_ids.reshape(-1, CHUNK).astype(jnp.int32)
    out = _make_lookup(b * l, weight.shape[1])(weight, idx_2d)
    return out.reshape(b, l, weight.shape[1])

# --- scband reference (transcript-rebuilt; emitter-appended) ---
"""Pipeline reference for scband-embedding-8546984919354 (READ-ONLY COPY).

The authoritative reference and input builder live on the scoring server;
editing this copy changes nothing except your own understanding.
"""

import jax, jax.numpy as jnp
import numpy as np

VOCAB = 100000
D_MODEL = 128


def setup_inputs(seed: int = 0) -> dict:
    key = jax.random.key(seed)
    k_idx, k_w = jax.random.split(key)
    token_ids = jax.random.randint(k_idx, (4096, 200), 0, VOCAB, dtype=jnp.int64 if jax.config.jax_enable_x64 else jnp.int32)
    # truncated normal init in [-3, 3], mean 0, std 1
    weight = jax.random.truncated_normal(k_w, -3.0, 3.0, (VOCAB, D_MODEL), dtype=jnp.float32)
    return {"token_ids": token_ids, "weight": weight}


def reference(token_ids, weight):
    # Embedding lookup: weight[token_ids] -> [B, L, d_model]
    return jnp.take(weight, token_ids, axis=0)

if __name__ == "__main__":
    import jax
    _d = setup_inputs()
    print(jax.jit(kernel)(*tuple(_d.values())))

</pallas_src>

<mosaic_0001>
#map = affine_map<(d0, d1) -> (0, 0)>
module attributes {stable_mosaic.version = 14 : i64} {
  func.func @lookup(%arg0: i32, %arg1: i32, %arg2: memref<100000x128xf32, #tpu.memory_space<hbm>>, %arg3: memref<6400x128xi32, #tpu.memory_space<hbm>>, %arg4: memref<819200x128xf32, #tpu.memory_space<hbm>>, %arg5: memref<200x128xi32, #tpu.memory_space<vmem>>, %arg6: memref<128x128xf32, #tpu.memory_space<vmem>>, %arg7: memref<128x128xf32, #tpu.memory_space<vmem>>, %arg8: memref<128x128xf32, #tpu.memory_space<vmem>>, %arg9: memref<128x128xf32, #tpu.memory_space<vmem>>, %arg10: memref<128x128xf32, #tpu.memory_space<vmem>>, %arg11: memref<!tpu.dma_semaphore, #tpu.memory_space<semaphore_mem>>, %arg12: memref<!tpu.dma_semaphore, #tpu.memory_space<semaphore_mem>>, %arg13: memref<!tpu.dma_semaphore, #tpu.memory_space<semaphore_mem>>, %arg14: memref<!tpu.dma_semaphore, #tpu.memory_space<semaphore_mem>>, %arg15: memref<!tpu.dma_semaphore, #tpu.memory_space<semaphore_mem>>, %arg16: memref<!tpu.dma_semaphore, #tpu.memory_space<semaphore_mem>>, %arg17: memref<!tpu.dma_semaphore, #tpu.memory_space<semaphore_mem>>, %arg18: memref<!tpu.dma_semaphore, #tpu.memory_space<semaphore_mem>>, %arg19: memref<!tpu.dma_semaphore, #tpu.memory_space<semaphore_mem>>, %arg20: memref<!tpu.dma_semaphore, #tpu.memory_space<semaphore_mem>>) attributes {dimension_semantics = [#tpu.dimension_semantics<core_parallel>, #tpu.dimension_semantics<subcore_parallel>], iteration_bounds = array<i64: 2, 16>, scalar_prefetch = 0 : i64, scratch_operands = 16 : i64, tpu.core_type = #tpu.core_type<sc_vector_subcore>, window_params = [{transform_indices = #map}, {transform_indices = #map}, {transform_indices = #map}]} {
    %mul3A = arith.constant 2 : i32
    %mul3A_0 = arith.muli %arg1, %mul3A : i32
    %add3A = arith.addi %mul3A_0, %arg0 : i32
    %mul3A_1 = arith.constant 25600 : i32
    %mul3A_2 = arith.muli %add3A, %mul3A_1 : i32
    %mul3A_3 = arith.constant 200 : i32
    %mul3A_4 = arith.muli %add3A, %mul3A_3 : i32
    "tpu.region"() ({
      %run_scoped3A = tpu.sem_alloc : memref<!tpu.dma_semaphore, #tpu.memory_space<semaphore_mem>>
      %dma_start3A_77 = arith.constant 0 : i32
      %dma_start3A_78 = arith.constant 0 : i32
      %dma_start3A_79 = tpu.memref_slice %arg5[%dma_start3A_77, %dma_start3A_78] : memref<200x128xi32, #tpu.memory_space<vmem>> -> memref<8x128xi32, #tpu.memory_space<vmem>>
      %dma_start3A_80 = arith.constant 0 : i32
      %dma_start3A_81 = tpu.memref_slice %arg3[%mul3A_4, %dma_start3A_80] : memref<6400x128xi32, #tpu.memory_space<hbm>> -> memref<8x128xi32, #tpu.memory_space<hbm>>
      %dma_start3A_82 = arith.constant 0 : i32
      %dma_start3A_83 = arith.constant 0 : i32
      %dma_start3A_84 = tpu.memref_slice %arg5[%dma_start3A_82, %dma_start3A_83] : memref<200x128xi32, #tpu.memory_space<vmem>> -> memref<8x128xi32, #tpu.memory_space<vmem>>
      %dma_start3A_85 = arith.constant 0 : i32
      %dma_start3A_86 = tpu.memref_slice %arg3[%mul3A_4, %dma_start3A_85] : memref<6400x128xi32, #tpu.memory_space<hbm>> -> memref<8x128xi32, #tpu.memory_space<hbm>>
      tpu.enqueue_dma source(%dma_start3A_86 : memref<8x128xi32, #tpu.memory_space<hbm>>) target(%dma_start3A_84 : memref<8x128xi32, #tpu.memory_space<vmem>>) target_semaphore(%run_scoped3A : memref<!tpu.dma_semaphore, #tpu.memory_space<semaphore_mem>>)
      %dma_wait3A_87 = arith.constant 0 : i32
      %dma_wait3A_88 = arith.constant 0 : i32
      %dma_wait3A_89 = tpu.memref_slice %arg5[%dma_wait3A_87, %dma_wait3A_88] : memref<200x128xi32, #tpu.memory_space<vmem>> -> memref<8x128xi32, #tpu.memory_space<vmem>>
      %dma_wait3A_90 = arith.constant 0 : i32
      %dma_wait3A_91 = tpu.memref_slice %arg3[%mul3A_4, %dma_wait3A_90] : memref<6400x128xi32, #tpu.memory_space<hbm>> -> memref<8x128xi32, #tpu.memory_space<hbm>>
      %dma_wait3A_92 = arith.constant 0 : i32
      %dma_wait3A_93 = arith.constant 0 : i32
      %dma_wait3A_94 = tpu.memref_slice %arg5[%dma_wait3A_92, %dma_wait3A_93] : memref<200x128xi32, #tpu.memory_space<vmem>> -> memref<8x128xi32, #tpu.memory_space<vmem>>
      %dma_wait3A_95 = arith.constant 0 : i32
      %dma_wait3A_96 = tpu.memref_slice %arg3[%mul3A_4, %dma_wait3A_95] : memref<6400x128xi32, #tpu.memory_space<hbm>> -> memref<8x128xi32, #tpu.memory_space<hbm>>
      tpu.wait_dma2 semaphore(%run_scoped3A : memref<!tpu.dma_semaphore, #tpu.memory_space<semaphore_mem>>) src(%dma_wait3A_96 : memref<8x128xi32, #tpu.memory_space<hbm>>) dst(%dma_wait3A_94 : memref<8x128xi32, #tpu.memory_space<vmem>>)
      tpu.yield
    }) : () -> ()
    %dma_start3A = arith.constant 0 : i32
    %dma_start3A_5 = arith.constant 0 : i32
    %dma_start3A_6 = tpu.memref_slice %arg5[%dma_start3A, %dma_start3A_5] : memref<200x128xi32, #tpu.memory_space<vmem>> -> memref<1x128xi32, #tpu.memory_space<vmem>>
    %dma_start3A_7 = tpu.memref_squeeze %dma_start3A_6 : memref<1x128xi32, #tpu.memory_space<vmem>> -> memref<128xi32, #tpu.memory_space<vmem>>
    %dma_start3A_8 = arith.constant 0 : i32
    %dma_start3A_9 = arith.constant 0 : i32
    %dma_start3A_10 = tpu.memref_slice %arg2[%dma_start3A_8, %dma_start3A_9] : memref<100000x128xf32, #tpu.memory_space<hbm>> -> memref<100000x128xf32, #tpu.memory_space<hbm>>
    tpu.enqueue_indirect_dma source(%dma_start3A_10 : memref<100000x128xf32, #tpu.memory_space<hbm>>) target(%arg6 : memref<128x128xf32, #tpu.memory_space<vmem>>) offsets(%dma_start3A_7 : memref<128xi32, #tpu.memory_space<vmem>>) semaphore(%arg11 : memref<!tpu.dma_semaphore, #tpu.memory_space<semaphore_mem>>)
    %dma_start3A_11 = arith.constant 1 : i32
    %dma_start3A_12 = arith.constant 0 : i32
    %dma_start3A_13 = tpu.memref_slice %arg5[%dma_start3A_11, %dma_start3A_12] : memref<200x128xi32, #tpu.memory_space<vmem>> -> memref<1x128xi32, #tpu.memory_space<vmem>>
    %dma_start3A_14 = tpu.memref_squeeze %dma_start3A_13 : memref<1x128xi32, #tpu.memory_space<vmem>> -> memref<128xi32, #tpu.memory_space<vmem>>
    %dma_start3A_15 = arith.constant 0 : i32
    %dma_start3A_16 = arith.constant 0 : i32
    %dma_start3A_17 = tpu.memref_slice %arg2[%dma_start3A_15, %dma_start3A_16] : memref<100000x128xf32, #tpu.memory_space<hbm>> -> memref<100000x128xf32, #tpu.memory_space<hbm>>
    tpu.enqueue_indirect_dma source(%dma_start3A_17 : memref<100000x128xf32, #tpu.memory_space<hbm>>) target(%arg7 : memref<128x128xf32, #tpu.memory_space<vmem>>) offsets(%dma_start3A_14 : memref<128xi32, #tpu.memory_space<vmem>>) semaphore(%arg12 : memref<!tpu.dma_semaphore, #tpu.memory_space<semaphore_mem>>)
    %dma_start3A_18 = arith.constant 2 : i32
    %dma_start3A_19 = arith.constant 0 : i32
    %dma_start3A_20 = tpu.memref_slice %arg5[%dma_start3A_18, %dma_start3A_19] : memref<200x128xi32, #tpu.memory_space<vmem>> -> memref<1x128xi32, #tpu.memory_space<vmem>>
    %dma_start3A_21 = tpu.memref_squeeze %dma_start3A_20 : memref<1x128xi32, #tpu.memory_space<vmem>> -> memref<128xi32, #tpu.memory_space<vmem>>
    %dma_start3A_22 = arith.constant 0 : i32
    %dma_start3A_23 = arith.constant 0 : i32
    %dma_start3A_24 = tpu.memref_slice %arg2[%dma_start3A_22, %dma_start3A_23] : memref<100000x128xf32, #tpu.memory_space<hbm>> -> memref<100000x128xf32, #tpu.memory_space<hbm>>
    tpu.enqueue_indirect_dma source(%dma_start3A_24 : memref<100000x128xf32, #tpu.memory_space<hbm>>) target(%arg8 : memref<128x128xf32, #tpu.memory_space<vmem>>) offsets(%dma_start3A_21 : memref<128xi32, #tpu.memory_space<vmem>>) semaphore(%arg13 : memref<!tpu.dma_semaphore, #tpu.memory_space<semaphore_mem>>)
    %dma_start3A_25 = arith.constant 3 : i32
    %dma_start3A_26 = arith.constant 0 : i32
    %dma_start3A_27 = tpu.memref_slice %arg5[%dma_start3A_25, %dma_start3A_26] : memref<200x128xi32, #tpu.memory_space<vmem>> -> memref<1x128xi32, #tpu.memory_space<vmem>>
    %dma_start3A_28 = tpu.memref_squeeze %dma_start3A_27 : memref<1x128xi32, #tpu.memory_space<vmem>> -> memref<128xi32, #tpu.memory_space<vmem>>
    %dma_start3A_29 = arith.constant 0 : i32
    %dma_start3A_30 = arith.constant 0 : i32
    %dma_start3A_31 = tpu.memref_slice %arg2[%dma_start3A_29, %dma_start3A_30] : memref<100000x128xf32, #tpu.memory_space<hbm>> -> memref<100000x128xf32, #tpu.memory_space<hbm>>
    tpu.enqueue_indirect_dma source(%dma_start3A_31 : memref<100000x128xf32, #tpu.memory_space<hbm>>) target(%arg9 : memref<128x128xf32, #tpu.memory_space<vmem>>) offsets(%dma_start3A_28 : memref<128xi32, #tpu.memory_space<vmem>>) semaphore(%arg14 : memref<!tpu.dma_semaphore, #tpu.memory_space<semaphore_mem>>)
    %dma_start3A_32 = arith.constant 4 : i32
    %dma_start3A_33 = arith.constant 0 : i32
    %dma_start3A_34 = tpu.memref_slice %arg5[%dma_start3A_32, %dma_start3A_33] : memref<200x128xi32, #tpu.memory_space<vmem>> -> memref<1x128xi32, #tpu.memory_space<vmem>>
    %dma_start3A_35 = tpu.memref_squeeze %dma_start3A_34 : memref<1x128xi32, #tpu.memory_space<vmem>> -> memref<128xi32, #tpu.memory_space<vmem>>
    %dma_start3A_36 = arith.constant 0 : i32
    %dma_start3A_37 = arith.constant 0 : i32
    %dma_start3A_38 = tpu.memref_slice %arg2[%dma_start3A_36, %dma_start3A_37] : memref<100000x128xf32, #tpu.memory_space<hbm>> -> memref<100000x128xf32, #tpu.memory_space<hbm>>
    tpu.enqueue_indirect_dma source(%dma_start3A_38 : memref<100000x128xf32, #tpu.memory_space<hbm>>) target(%arg10 : memref<128x128xf32, #tpu.memory_space<vmem>>) offsets(%dma_start3A_35 : memref<128xi32, #tpu.memory_space<vmem>>) semaphore(%arg15 : memref<!tpu.dma_semaphore, #tpu.memory_space<semaphore_mem>>)
    %mul3A_39 = arith.constant 200 : i32
    %mul3A_40 = arith.muli %add3A, %mul3A_39 : i32
    %add3A_41 = arith.constant 8 : i32
    %add3A_42 = arith.addi %mul3A_40, %add3A_41 : i32
    "tpu.region"() ({
      %run_scoped3A = tpu.sem_alloc : memref<!tpu.dma_semaphore, #tpu.memory_space<semaphore_mem>>
      %dma_start3A_77 = arith.constant 8 : i32
      %dma_start3A_78 = arith.constant 0 : i32
      %dma_start3A_79 = tpu.memref_slice %arg5[%dma_start3A_77, %dma_start3A_78] : memref<200x128xi32, #tpu.memory_space<vmem>> -> memref<192x128xi32, #tpu.memory_space<vmem>>
      %dma_start3A_80 = arith.constant 0 : i32
      %dma_start3A_81 = tpu.memref_slice %arg3[%add3A_42, %dma_start3A_80] : memref<6400x128xi32, #tpu.memory_space<hbm>> -> memref<192x128xi32, #tpu.memory_space<hbm>>
      %dma_start3A_82 = arith.constant 8 : i32
      %dma_start3A_83 = arith.constant 0 : i32
      %dma_start3A_84 = tpu.memref_slice %arg5[%dma_start3A_82, %dma_start3A_83] : memref<200x128xi32, #tpu.memory_space<vmem>> -> memref<192x128xi32, #tpu.memory_space<vmem>>
      %dma_start3A_85 = arith.constant 0 : i32
      %dma_start3A_86 = tpu.memref_slice %arg3[%add3A_42, %dma_start3A_85] : memref<6400x128xi32, #tpu.memory_space<hbm>> -> memref<192x128xi32, #tpu.memory_space<hbm>>
      tpu.enqueue_dma source(%dma_start3A_86 : memref<192x128xi32, #tpu.memory_space<hbm>>) target(%dma_start3A_84 : memref<192x128xi32, #tpu.memory_space<vmem>>) target_semaphore(%run_scoped3A : memref<!tpu.dma_semaphore, #tpu.memory_space<semaphore_mem>>)
      %dma_wait3A_87 = arith.constant 8 : i32
      %dma_wait3A_88 = arith.constant 0 : i32
      %dma_wait3A_89 = tpu.memref_slice %arg5[%dma_wait3A_87, %dma_wait3A_88] : memref<200x128xi32, #tpu.memory_space<vmem>> -> memref<192x128xi32, #tpu.memory_space<vmem>>
      %dma_wait3A_90 = arith.constant 0 : i32
      %dma_wait3A_91 = tpu.memref_slice %arg3[%add3A_42, %dma_wait3A_90] : memref<6400x128xi32, #tpu.memory_space<hbm>> -> memref<192x128xi32, #tpu.memory_space<hbm>>
      %dma_wait3A_92 = arith.constant 8 : i32
      %dma_wait3A_93 = arith.constant 0 : i32
      %dma_wait3A_94 = tpu.memref_slice %arg5[%dma_wait3A_92, %dma_wait3A_93] : memref<200x128xi32, #tpu.memory_space<vmem>> -> memref<192x128xi32, #tpu.memory_space<vmem>>
      %dma_wait3A_95 = arith.constant 0 : i32
      %dma_wait3A_96 = tpu.memref_slice %arg3[%add3A_42, %dma_wait3A_95] : memref<6400x128xi32, #tpu.memory_space<hbm>> -> memref<192x128xi32, #tpu.memory_space<hbm>>
      tpu.wait_dma2 semaphore(%run_scoped3A : memref<!tpu.dma_semaphore, #tpu.memory_space<semaphore_mem>>) src(%dma_wait3A_96 : memref<192x128xi32, #tpu.memory_space<hbm>>) dst(%dma_wait3A_94 : memref<192x128xi32, #tpu.memory_space<vmem>>)
      tpu.yield
    }) : () -> ()
    %scan3A = arith.constant 0 : i32
    %scan3A_43 = arith.constant 0 : i32
    %scan3A_44 = arith.constant 40 : i32
    %scan3A_45 = arith.addi %scan3A_43, %scan3A_44 : i32
    %scan3A_46 = arith.constant 1 : i32
    scf.for %scan3A_77 = %scan3A_43 to %scan3A_45 step %scan3A_46  : i32 {
      %mul3A_78 = arith.constant 5 : i32
      %mul3A_79 = arith.muli %scan3A_77, %mul3A_78 : i32
      %add3A_80 = arith.constant 0 : i32
      %add3A_81 = arith.addi %mul3A_79, %add3A_80 : i32
      %dma_wait3A_82 = arith.constant 0 : i32
      %dma_wait3A_83 = tpu.memref_slice %arg5[%add3A_81, %dma_wait3A_82] : memref<200x128xi32, #tpu.memory_space<vmem>> -> memref<1x128xi32, #tpu.memory_space<vmem>>
      %dma_wait3A_84 = tpu.memref_squeeze %dma_wait3A_83 : memref<1x128xi32, #tpu.memory_space<vmem>> -> memref<128xi32, #tpu.memory_space<vmem>>
      %dma_wait3A_85 = arith.constant 0 : i32
      %dma_wait3A_86 = arith.constant 0 : i32
      %dma_wait3A_87 = tpu.memref_slice %arg2[%dma_wait3A_85, %dma_wait3A_86] : memref<100000x128xf32, #tpu.memory_space<hbm>> -> memref<100000x128xf32, #tpu.memory_space<hbm>>
      tpu.wait_indirect_dma semaphore(%arg11 : memref<!tpu.dma_semaphore, #tpu.memory_space<semaphore_mem>>) src(%dma_wait3A_87 : memref<100000x128xf32, #tpu.memory_space<hbm>>) dst(%arg6 : memref<128x128xf32, #tpu.memory_space<vmem>>)
      %add3A_88 = arith.constant 0 : i32
      %add3A_89 = arith.addi %mul3A_79, %add3A_88 : i32
      %mul3A_90 = arith.constant 128 : i32
      %mul3A_91 = arith.muli %add3A_89, %mul3A_90 : i32
      %add3A_92 = arith.addi %mul3A_2, %mul3A_91 : i32
      %dma_start3A_93 = arith.constant 0 : i32
      %dma_start3A_94 = tpu.memref_slice %arg4[%add3A_92, %dma_start3A_93] : memref<819200x128xf32, #tpu.memory_space<hbm>> -> memref<128x128xf32, #tpu.memory_space<hbm>>
      %dma_start3A_95 = arith.constant 0 : i32
      %dma_start3A_96 = tpu.memref_slice %arg4[%add3A_92, %dma_start3A_95] : memref<819200x128xf32, #tpu.memory_space<hbm>> -> memref<128x128xf32, #tpu.memory_space<hbm>>
      tpu.enqueue_dma source(%arg6 : memref<128x128xf32, #tpu.memory_space<vmem>>) target(%dma_start3A_96 : memref<128x128xf32, #tpu.memory_space<hbm>>) target_semaphore(%arg16 : memref<!tpu.dma_semaphore, #tpu.memory_space<semaphore_mem>>)
      %add3A_97 = arith.constant 1 : i32
      %add3A_98 = arith.addi %mul3A_79, %add3A_97 : i32
      %dma_wait3A_99 = arith.constant 0 : i32
      %dma_wait3A_100 = tpu.memref_slice %arg5[%add3A_98, %dma_wait3A_99] : memref<200x128xi32, #tpu.memory_space<vmem>> -> memref<1x128xi32, #tpu.memory_space<vmem>>
      %dma_wait3A_101 = tpu.memref_squeeze %dma_wait3A_100 : memref<1x128xi32, #tpu.memory_space<vmem>> -> memref<128xi32, #tpu.memory_space<vmem>>
      %dma_wait3A_102 = arith.constant 0 : i32
      %dma_wait3A_103 = arith.constant 0 : i32
      %dma_wait3A_104 = tpu.memref_slice %arg2[%dma_wait3A_102, %dma_wait3A_103] : memref<100000x128xf32, #tpu.memory_space<hbm>> -> memref<100000x128xf32, #tpu.memory_space<hbm>>
      tpu.wait_indirect_dma semaphore(%arg12 : memref<!tpu.dma_semaphore, #tpu.memory_space<semaphore_mem>>) src(%dma_wait3A_104 : memref<100000x128xf32, #tpu.memory_space<hbm>>) dst(%arg7 : memref<128x128xf32, #tpu.memory_space<vmem>>)
      %add3A_105 = arith.constant 1 : i32
      %add3A_106 = arith.addi %mul3A_79, %add3A_105 : i32
      %mul3A_107 = arith.constant 128 : i32
      %mul3A_108 = arith.muli %add3A_106, %mul3A_107 : i32
      %add3A_109 = arith.addi %mul3A_2, %mul3A_108 : i32
      %dma_start3A_110 = arith.constant 0 : i32
      %dma_start3A_111 = tpu.memref_slice %arg4[%add3A_109, %dma_start3A_110] : memref<819200x128xf32, #tpu.memory_space<hbm>> -> memref<128x128xf32, #tpu.memory_space<hbm>>
      %dma_start3A_112 = arith.constant 0 : i32
      %dma_start3A_113 = tpu.memref_slice %arg4[%add3A_109, %dma_start3A_112] : memref<819200x128xf32, #tpu.memory_space<hbm>> -> memref<128x128xf32, #tpu.memory_space<hbm>>
      tpu.enqueue_dma source(%arg7 : memref<128x128xf32, #tpu.memory_space<vmem>>) target(%dma_start3A_113 : memref<128x128xf32, #tpu.memory_space<hbm>>) target_semaphore(%arg17 : memref<!tpu.dma_semaphore, #tpu.memory_space<semaphore_mem>>)
      %add3A_114 = arith.constant 2 : i32
      %add3A_115 = arith.addi %mul3A_79, %add3A_114 : i32
      %dma_wait3A_116 = arith.constant 0 : i32
      %dma_wait3A_117 = tpu.memref_slice %arg5[%add3A_115, %dma_wait3A_116] : memref<200x128xi32, #tpu.memory_space<vmem>> -> memref<1x128xi32, #tpu.memory_space<vmem>>
      %dma_wait3A_118 = tpu.memref_squeeze %dma_wait3A_117 : memref<1x128xi32, #tpu.memory_space<vmem>> -> memref<128xi32, #tpu.memory_space<vmem>>
      %dma_wait3A_119 = arith.constant 0 : i32
      %dma_wait3A_120 = arith.constant 0 : i32
      %dma_wait3A_121 = tpu.memref_slice %arg2[%dma_wait3A_119, %dma_wait3A_120] : memref<100000x128xf32, #tpu.memory_space<hbm>> -> memref<100000x128xf32, #tpu.memory_space<hbm>>
      tpu.wait_indirect_dma semaphore(%arg13 : memref<!tpu.dma_semaphore, #tpu.memory_space<semaphore_mem>>) src(%dma_wait3A_121 : memref<100000x128xf32, #tpu.memory_space<hbm>>) dst(%arg8 : memref<128x128xf32, #tpu.memory_space<vmem>>)
      %add3A_122 = arith.constant 2 : i32
      %add3A_123 = arith.addi %mul3A_79, %add3A_122 : i32
      %mul3A_124 = arith.constant 128 : i32
      %mul3A_125 = arith.muli %add3A_123, %mul3A_124 : i32
      %add3A_126 = arith.addi %mul3A_2, %mul3A_125 : i32
      %dma_start3A_127 = arith.constant 0 : i32
      %dma_start3A_128 = tpu.memref_slice %arg4[%add3A_126, %dma_start3A_127] : memref<819200x128xf32, #tpu.memory_space<hbm>> -> memref<128x128xf32, #tpu.memory_space<hbm>>
      %dma_start3A_129 = arith.constant 0 : i32
      %dma_start3A_130 = tpu.memref_slice %arg4[%add3A_126, %dma_start3A_129] : memref<819200x128xf32, #tpu.memory_space<hbm>> -> memref<128x128xf32, #tpu.memory_space<hbm>>
      tpu.enqueue_dma source(%arg8 : memref<128x128xf32, #tpu.memory_space<vmem>>) target(%dma_start3A_130 : memref<128x128xf32, #tpu.memory_space<hbm>>) target_semaphore(%arg18 : memref<!tpu.dma_semaphore, #tpu.memory_space<semaphore_mem>>)
      %add3A_131 = arith.constant 3 : i32
      %add3A_132 = arith.addi %mul3A_79, %add3A_131 : i32
      %dma_wait3A_133 = arith.constant 0 : i32
      %dma_wait3A_134 = tpu.memref_slice %arg5[%add3A_132, %dma_wait3A_133] : memref<200x128xi32, #tpu.memory_space<vmem>> -> memref<1x128xi32, #tpu.memory_space<vmem>>
      %dma_wait3A_135 = tpu.memref_squeeze %dma_wait3A_134 : memref<1x128xi32, #tpu.memory_space<vmem>> -> memref<128xi32, #tpu.memory_space<vmem>>
      %dma_wait3A_136 = arith.constant 0 : i32
      %dma_wait3A_137 = arith.constant 0 : i32
      %dma_wait3A_138 = tpu.memref_slice %arg2[%dma_wait3A_136, %dma_wait3A_137] : memref<100000x128xf32, #tpu.memory_space<hbm>> -> memref<100000x128xf32, #tpu.memory_space<hbm>>
      tpu.wait_indirect_dma semaphore(%arg14 : memref<!tpu.dma_semaphore, #tpu.memory_space<semaphore_mem>>) src(%dma_wait3A_138 : memref<100000x128xf32, #tpu.memory_space<hbm>>) dst(%arg9 : memref<128x128xf32, #tpu.memory_space<vmem>>)
      %add3A_139 = arith.constant 3 : i32
      %add3A_140 = arith.addi %mul3A_79, %add3A_139 : i32
      %mul3A_141 = arith.constant 128 : i32
      %mul3A_142 = arith.muli %add3A_140, %mul3A_141 : i32
      %add3A_143 = arith.addi %mul3A_2, %mul3A_142 : i32
      %dma_start3A_144 = arith.constant 0 : i32
      %dma_start3A_145 = tpu.memref_slice %arg4[%add3A_143, %dma_start3A_144] : memref<819200x128xf32, #tpu.memory_space<hbm>> -> memref<128x128xf32, #tpu.memory_space<hbm>>
      %dma_start3A_146 = arith.constant 0 : i32
      %dma_start3A_147 = tpu.memref_slice %arg4[%add3A_143, %dma_start3A_146] : memref<819200x128xf32, #tpu.memory_space<hbm>> -> memref<128x128xf32, #tpu.memory_space<hbm>>
      tpu.enqueue_dma source(%arg9 : memref<128x128xf32, #tpu.memory_space<vmem>>) target(%dma_start3A_147 : memref<128x128xf32, #tpu.memory_space<hbm>>) target_semaphore(%arg19 : memref<!tpu.dma_semaphore, #tpu.memory_space<semaphore_mem>>)
      %add3A_148 = arith.constant 4 : i32
      %add3A_149 = arith.addi %mul3A_79, %add3A_148 : i32
      %dma_wait3A_150 = arith.constant 0 : i32
      %dma_wait3A_151 = tpu.memref_slice %arg5[%add3A_149, %dma_wait3A_150] : memref<200x128xi32, #tpu.memory_space<vmem>> -> memref<1x128xi32, #tpu.memory_space<vmem>>
      %dma_wait3A_152 = tpu.memref_squeeze %dma_wait3A_151 : memref<1x128xi32, #tpu.memory_space<vmem>> -> memref<128xi32, #tpu.memory_space<vmem>>
      %dma_wait3A_153 = arith.constant 0 : i32
      %dma_wait3A_154 = arith.constant 0 : i32
      %dma_wait3A_155 = tpu.memref_slice %arg2[%dma_wait3A_153, %dma_wait3A_154] : memref<100000x128xf32, #tpu.memory_space<hbm>> -> memref<100000x128xf32, #tpu.memory_space<hbm>>
      tpu.wait_indirect_dma semaphore(%arg15 : memref<!tpu.dma_semaphore, #tpu.memory_space<semaphore_mem>>) src(%dma_wait3A_155 : memref<100000x128xf32, #tpu.memory_space<hbm>>) dst(%arg10 : memref<128x128xf32, #tpu.memory_space<vmem>>)
      %add3A_156 = arith.constant 4 : i32
      %add3A_157 = arith.addi %mul3A_79, %add3A_156 : i32
      %mul3A_158 = arith.constant 128 : i32
      %mul3A_159 = arith.muli %add3A_157, %mul3A_158 : i32
      %add3A_160 = arith.addi %mul3A_2, %mul3A_159 : i32
      %dma_start3A_161 = arith.constant 0 : i32
      %dma_start3A_162 = tpu.memref_slice %arg4[%add3A_160, %dma_start3A_161] : memref<819200x128xf32, #tpu.memory_space<hbm>> -> memref<128x128xf32, #tpu.memory_space<hbm>>
      %dma_start3A_163 = arith.constant 0 : i32
      %dma_start3A_164 = tpu.memref_slice %arg4[%add3A_160, %dma_start3A_163] : memref<819200x128xf32, #tpu.memory_space<hbm>> -> memref<128x128xf32, #tpu.memory_space<hbm>>
      tpu.enqueue_dma source(%arg10 : memref<128x128xf32, #tpu.memory_space<vmem>>) target(%dma_start3A_164 : memref<128x128xf32, #tpu.memory_space<hbm>>) target_semaphore(%arg20 : memref<!tpu.dma_semaphore, #tpu.memory_space<semaphore_mem>>)
      %add3A_165 = arith.constant 0 : i32
      %add3A_166 = arith.addi %mul3A_79, %add3A_165 : i32
      %add3A_167 = arith.constant 5 : i32
      %add3A_168 = arith.addi %add3A_166, %add3A_167 : i32
      %lt3A = arith.constant 39 : i32
      %lt3A_169 = arith.cmpi slt, %scan3A_77, %lt3A : i32
      %convert_element_type3A = arith.extui %lt3A_169 : i1 to i32
      %cond3A = arith.constant 0 : i32
      %cond3A_170 = arith.cmpi ne, %convert_element_type3A, %cond3A : i32
      scf.if %cond3A_170 {
        %add3A_207 = arith.constant 0 : i32
        %add3A_208 = arith.addi %mul3A_79, %add3A_207 : i32
        %mul3A_209 = arith.constant 128 : i32
        %mul3A_210 = arith.muli %add3A_208, %mul3A_209 : i32
        %add3A_211 = arith.addi %mul3A_2, %mul3A_210 : i32
        %dma_wait3A_212 = arith.constant 0 : i32
        %dma_wait3A_213 = tpu.memref_slice %arg4[%add3A_211, %dma_wait3A_212] : memref<819200x128xf32, #tpu.memory_space<hbm>> -> memref<128x128xf32, #tpu.memory_space<hbm>>
        %dma_wait3A_214 = arith.constant 0 : i32
        %dma_wait3A_215 = tpu.memref_slice %arg4[%add3A_211, %dma_wait3A_214] : memref<819200x128xf32, #tpu.memory_space<hbm>> -> memref<128x128xf32, #tpu.memory_space<hbm>>
        tpu.wait_dma2 semaphore(%arg16 : memref<!tpu.dma_semaphore, #tpu.memory_space<semaphore_mem>>) src(%arg6 : memref<128x128xf32, #tpu.memory_space<vmem>>) dst(%dma_wait3A_215 : memref<128x128xf32, #tpu.memory_space<hbm>>)
        %dma_start3A_216 = arith.constant 0 : i32
        %dma_start3A_217 = tpu.memref_slice %arg5[%add3A_168, %dma_start3A_216] : memref<200x128xi32, #tpu.memory_space<vmem>> -> memref<1x128xi32, #tpu.memory_space<vmem>>
        %dma_start3A_218 = tpu.memref_squeeze %dma_start3A_217 : memref<1x128xi32, #tpu.memory_space<vmem>> -> memref<128xi32, #tpu.memory_space<vmem>>
        %dma_start3A_219 = arith.constant 0 : i32
        %dma_start3A_220 = arith.constant 0 : i32
        %dma_start3A_221 = tpu.memref_slice %arg2[%dma_start3A_219, %dma_start3A_220] : memref<100000x128xf32, #tpu.memory_space<hbm>> -> memref<100000x128xf32, #tpu.memory_space<hbm>>
        tpu.enqueue_indirect_dma source(%dma_start3A_221 : memref<100000x128xf32, #tpu.memory_space<hbm>>) target(%arg6 : memref<128x128xf32, #tpu.memory_space<vmem>>) offsets(%dma_start3A_218 : memref<128xi32, #tpu.memory_space<vmem>>) semaphore(%arg11 : memref<!tpu.dma_semaphore, #tpu.memory_space<semaphore_mem>>)
      } else {
      }
      %add3A_171 = arith.constant 1 : i32
      %add3A_172 = arith.addi %mul3A_79, %add3A_171 : i32
      %add3A_173 = arith.constant 5 : i32
      %add3A_174 = arith.addi %add3A_172, %add3A_173 : i32
      %lt3A_175 = arith.constant 39 : i32
      %lt3A_176 = arith.cmpi slt, %scan3A_77, %lt3A_175 : i32
      %convert_element_type3A_177 = arith.extui %lt3A_176 : i1 to i32
      %cond3A_178 = arith.constant 0 : i32
      %cond3A_179 = arith.cmpi ne, %convert_element_type3A_177, %cond3A_178 : i32
      scf.if %cond3A_179 {
        %add3A_207 = arith.constant 1 : i32
        %add3A_208 = arith.addi %mul3A_79, %add3A_207 : i32
        %mul3A_209 = arith.constant 128 : i32
        %mul3A_210 = arith.muli %add3A_208, %mul3A_209 : i32
        %add3A_211 = arith.addi %mul3A_2, %mul3A_210 : i32
        %dma_wait3A_212 = arith.constant 0 : i32
        %dma_wait3A_213 = tpu.memref_slice %arg4[%add3A_211, %dma_wait3A_212] : memref<819200x128xf32, #tpu.memory_space<hbm>> -> memref<128x128xf32, #tpu.memory_space<hbm>>
        %dma_wait3A_214 = arith.constant 0 : i32
        %dma_wait3A_215 = tpu.memref_slice %arg4[%add3A_211, %dma_wait3A_214] : memref<819200x128xf32, #tpu.memory_space<hbm>> -> memref<128x128xf32, #tpu.memory_space<hbm>>
        tpu.wait_dma2 semaphore(%arg17 : memref<!tpu.dma_semaphore, #tpu.memory_space<semaphore_mem>>) src(%arg7 : memref<128x128xf32, #tpu.memory_space<vmem>>) dst(%dma_wait3A_215 : memref<128x128xf32, #tpu.memory_space<hbm>>)
        %dma_start3A_216 = arith.constant 0 : i32
        %dma_start3A_217 = tpu.memref_slice %arg5[%add3A_174, %dma_start3A_216] : memref<200x128xi32, #tpu.memory_space<vmem>> -> memref<1x128xi32, #tpu.memory_space<vmem>>
        %dma_start3A_218 = tpu.memref_squeeze %dma_start3A_217 : memref<1x128xi32, #tpu.memory_space<vmem>> -> memref<128xi32, #tpu.memory_space<vmem>>
        %dma_start3A_219 = arith.constant 0 : i32
        %dma_start3A_220 = arith.constant 0 : i32
        %dma_start3A_221 = tpu.memref_slice %arg2[%dma_start3A_219, %dma_start3A_220] : memref<100000x128xf32, #tpu.memory_space<hbm>> -> memref<100000x128xf32, #tpu.memory_space<hbm>>
        tpu.enqueue_indirect_dma source(%dma_start3A_221 : memref<100000x128xf32, #tpu.memory_space<hbm>>) target(%arg7 : memref<128x128xf32, #tpu.memory_space<vmem>>) offsets(%dma_start3A_218 : memref<128xi32, #tpu.memory_space<vmem>>) semaphore(%arg12 : memref<!tpu.dma_semaphore, #tpu.memory_space<semaphore_mem>>)
      } else {
      }
      %add3A_180 = arith.constant 2 : i32
      %add3A_181 = arith.addi %mul3A_79, %add3A_180 : i32
      %add3A_182 = arith.constant 5 : i32
      %add3A_183 = arith.addi %add3A_181, %add3A_182 : i32
      %lt3A_184 = arith.constant 39 : i32
      %lt3A_185 = arith.cmpi slt, %scan3A_77, %lt3A_184 : i32
      %convert_element_type3A_186 = arith.extui %lt3A_185 : i1 to i32
      %cond3A_187 = arith.constant 0 : i32
      %cond3A_188 = arith.cmpi ne, %convert_element_type3A_186, %cond3A_187 : i32
      scf.if %cond3A_188 {
        %add3A_207 = arith.constant 2 : i32
        %add3A_208 = arith.addi %mul3A_79, %add3A_207 : i32
        %mul3A_209 = arith.constant 128 : i32
        %mul3A_210 = arith.muli %add3A_208, %mul3A_209 : i32
        %add3A_211 = arith.addi %mul3A_2, %mul3A_210 : i32
        %dma_wait3A_212 = arith.constant 0 : i32
        %dma_wait3A_213 = tpu.memref_slice %arg4[%add3A_211, %dma_wait3A_212] : memref<819200x128xf32, #tpu.memory_space<hbm>> -> memref<128x128xf32, #tpu.memory_space<hbm>>
        %dma_wait3A_214 = arith.constant 0 : i32
        %dma_wait3A_215 = tpu.memref_slice %arg4[%add3A_211, %dma_wait3A_214] : memref<819200x128xf32, #tpu.memory_space<hbm>> -> memref<128x128xf32, #tpu.memory_space<hbm>>
        tpu.wait_dma2 semaphore(%arg18 : memref<!tpu.dma_semaphore, #tpu.memory_space<semaphore_mem>>) src(%arg8 : memref<128x128xf32, #tpu.memory_space<vmem>>) dst(%dma_wait3A_215 : memref<128x128xf32, #tpu.memory_space<hbm>>)
        %dma_start3A_216 = arith.constant 0 : i32
        %dma_start3A_217 = tpu.memref_slice %arg5[%add3A_183, %dma_start3A_216] : memref<200x128xi32, #tpu.memory_space<vmem>> -> memref<1x128xi32, #tpu.memory_space<vmem>>
        %dma_start3A_218 = tpu.memref_squeeze %dma_start3A_217 : memref<1x128xi32, #tpu.memory_space<vmem>> -> memref<128xi32, #tpu.memory_space<vmem>>
        %dma_start3A_219 = arith.constant 0 : i32
        %dma_start3A_220 = arith.constant 0 : i32
        %dma_start3A_221 = tpu.memref_slice %arg2[%dma_start3A_219, %dma_start3A_220] : memref<100000x128xf32, #tpu.memory_space<hbm>> -> memref<100000x128xf32, #tpu.memory_space<hbm>>
        tpu.enqueue_indirect_dma source(%dma_start3A_221 : memref<100000x128xf32, #tpu.memory_space<hbm>>) target(%arg8 : memref<128x128xf32, #tpu.memory_space<vmem>>) offsets(%dma_start3A_218 : memref<128xi32, #tpu.memory_space<vmem>>) semaphore(%arg13 : memref<!tpu.dma_semaphore, #tpu.memory_space<semaphore_mem>>)
      } else {
      }
      %add3A_189 = arith.constant 3 : i32
      %add3A_190 = arith.addi %mul3A_79, %add3A_189 : i32
      %add3A_191 = arith.constant 5 : i32
      %add3A_192 = arith.addi %add3A_190, %add3A_191 : i32
      %lt3A_193 = arith.constant 39 : i32
      %lt3A_194 = arith.cmpi slt, %scan3A_77, %lt3A_193 : i32
      %convert_element_type3A_195 = arith.extui %lt3A_194 : i1 to i32
      %cond3A_196 = arith.constant 0 : i32
      %cond3A_197 = arith.cmpi ne, %convert_element_type3A_195, %cond3A_196 : i32
      scf.if %cond3A_197 {
        %add3A_207 = arith.constant 3 : i32
        %add3A_208 = arith.addi %mul3A_79, %add3A_207 : i32
        %mul3A_209 = arith.constant 128 : i32
        %mul3A_210 = arith.muli %add3A_208, %mul3A_209 : i32
        %add3A_211 = arith.addi %mul3A_2, %mul3A_210 : i32
        %dma_wait3A_212 = arith.constant 0 : i32
        %dma_wait3A_213 = tpu.memref_slice %arg4[%add3A_211, %dma_wait3A_212] : memref<819200x128xf32, #tpu.memory_space<hbm>> -> memref<128x128xf32, #tpu.memory_space<hbm>>
        %dma_wait3A_214 = arith.constant 0 : i32
        %dma_wait3A_215 = tpu.memref_slice %arg4[%add3A_211, %dma_wait3A_214] : memref<819200x128xf32, #tpu.memory_space<hbm>> -> memref<128x128xf32, #tpu.memory_space<hbm>>
        tpu.wait_dma2 semaphore(%arg19 : memref<!tpu.dma_semaphore, #tpu.memory_space<semaphore_mem>>) src(%arg9 : memref<128x128xf32, #tpu.memory_space<vmem>>) dst(%dma_wait3A_215 : memref<128x128xf32, #tpu.memory_space<hbm>>)
        %dma_start3A_216 = arith.constant 0 : i32
        %dma_start3A_217 = tpu.memref_slice %arg5[%add3A_192, %dma_start3A_216] : memref<200x128xi32, #tpu.memory_space<vmem>> -> memref<1x128xi32, #tpu.memory_space<vmem>>
        %dma_start3A_218 = tpu.memref_squeeze %dma_start3A_217 : memref<1x128xi32, #tpu.memory_space<vmem>> -> memref<128xi32, #tpu.memory_space<vmem>>
        %dma_start3A_219 = arith.constant 0 : i32
        %dma_start3A_220 = arith.constant 0 : i32
        %dma_start3A_221 = tpu.memref_slice %arg2[%dma_start3A_219, %dma_start3A_220] : memref<100000x128xf32, #tpu.memory_space<hbm>> -> memref<100000x128xf32, #tpu.memory_space<hbm>>
        tpu.enqueue_indirect_dma source(%dma_start3A_221 : memref<100000x128xf32, #tpu.memory_space<hbm>>) target(%arg9 : memref<128x128xf32, #tpu.memory_space<vmem>>) offsets(%dma_start3A_218 : memref<128xi32, #tpu.memory_space<vmem>>) semaphore(%arg14 : memref<!tpu.dma_semaphore, #tpu.memory_space<semaphore_mem>>)
      } else {
      }
      %add3A_198 = arith.constant 4 : i32
      %add3A_199 = arith.addi %mul3A_79, %add3A_198 : i32
      %add3A_200 = arith.constant 5 : i32
      %add3A_201 = arith.addi %add3A_199, %add3A_200 : i32
      %lt3A_202 = arith.constant 39 : i32
      %lt3A_203 = arith.cmpi slt, %scan3A_77, %lt3A_202 : i32
      %convert_element_type3A_204 = arith.extui %lt3A_203 : i1 to i32
      %cond3A_205 = arith.constant 0 : i32
      %cond3A_206 = arith.cmpi ne, %convert_element_type3A_204, %cond3A_205 : i32
      scf.if %cond3A_206 {
        %add3A_207 = arith.constant 4 : i32
        %add3A_208 = arith.addi %mul3A_79, %add3A_207 : i32
        %mul3A_209 = arith.constant 128 : i32
        %mul3A_210 = arith.muli %add3A_208, %mul3A_209 : i32
        %add3A_211 = arith.addi %mul3A_2, %mul3A_210 : i32
        %dma_wait3A_212 = arith.constant 0 : i32
        %dma_wait3A_213 = tpu.memref_slice %arg4[%add3A_211, %dma_wait3A_212] : memref<819200x128xf32, #tpu.memory_space<hbm>> -> memref<128x128xf32, #tpu.memory_space<hbm>>
        %dma_wait3A_214 = arith.constant 0 : i32
        %dma_wait3A_215 = tpu.memref_slice %arg4[%add3A_211, %dma_wait3A_214] : memref<819200x128xf32, #tpu.memory_space<hbm>> -> memref<128x128xf32, #tpu.memory_space<hbm>>
        tpu.wait_dma2 semaphore(%arg20 : memref<!tpu.dma_semaphore, #tpu.memory_space<semaphore_mem>>) src(%arg10 : memref<128x128xf32, #tpu.memory_space<vmem>>) dst(%dma_wait3A_215 : memref<128x128xf32, #tpu.memory_space<hbm>>)
        %dma_start3A_216 = arith.constant 0 : i32
        %dma_start3A_217 = tpu.memref_slice %arg5[%add3A_201, %dma_start3A_216] : memref<200x128xi32, #tpu.memory_space<vmem>> -> memref<1x128xi32, #tpu.memory_space<vmem>>
        %dma_start3A_218 = tpu.memref_squeeze %dma_start3A_217 : memref<1x128xi32, #tpu.memory_space<vmem>> -> memref<128xi32, #tpu.memory_space<vmem>>
        %dma_start3A_219 = arith.constant 0 : i32
        %dma_start3A_220 = arith.constant 0 : i32
        %dma_start3A_221 = tpu.memref_slice %arg2[%dma_start3A_219, %dma_start3A_220] : memref<100000x128xf32, #tpu.memory_space<hbm>> -> memref<100000x128xf32, #tpu.memory_space<hbm>>
        tpu.enqueue_indirect_dma source(%dma_start3A_221 : memref<100000x128xf32, #tpu.memory_space<hbm>>) target(%arg10 : memref<128x128xf32, #tpu.memory_space<vmem>>) offsets(%dma_start3A_218 : memref<128xi32, #tpu.memory_space<vmem>>) semaphore(%arg15 : memref<!tpu.dma_semaphore, #tpu.memory_space<semaphore_mem>>)
      } else {
      }
    }
    %scan3A_47 = arith.constant 40 : i32
    %add3A_48 = arith.constant 24960 : i32
    %add3A_49 = arith.addi %mul3A_2, %add3A_48 : i32
    %dma_wait3A = arith.constant 0 : i32
    %dma_wait3A_50 = tpu.memref_slice %arg4[%add3A_49, %dma_wait3A] : memref<819200x128xf32, #tpu.memory_space<hbm>> -> memref<128x128xf32, #tpu.memory_space<hbm>>
    %dma_wait3A_51 = arith.constant 0 : i32
    %dma_wait3A_52 = tpu.memref_slice %arg4[%add3A_49, %dma_wait3A_51] : memref<819200x128xf32, #tpu.memory_space<hbm>> -> memref<128x128xf32, #tpu.memory_space<hbm>>
    tpu.wait_dma2 semaphore(%arg16 : memref<!tpu.dma_semaphore, #tpu.memory_space<semaphore_mem>>) src(%arg6 : memref<128x128xf32, #tpu.memory_space<vmem>>) dst(%dma_wait3A_52 : memref<128x128xf32, #tpu.memory_space<hbm>>)
    %add3A_53 = arith.constant 25088 : i32
    %add3A_54 = arith.addi %mul3A_2, %add3A_53 : i32
    %dma_wait3A_55 = arith.constant 0 : i32
    %dma_wait3A_56 = tpu.memref_slice %arg4[%add3A_54, %dma_wait3A_55] : memref<819200x128xf32, #tpu.memory_space<hbm>> -> memref<128x128xf32, #tpu.memory_space<hbm>>
    %dma_wait3A_57 = arith.constant 0 : i32
    %dma_wait3A_58 = tpu.memref_slice %arg4[%add3A_54, %dma_wait3A_57] : memref<819200x128xf32, #tpu.memory_space<hbm>> -> memref<128x128xf32, #tpu.memory_space<hbm>>
    tpu.wait_dma2 semaphore(%arg17 : memref<!tpu.dma_semaphore, #tpu.memory_space<semaphore_mem>>) src(%arg7 : memref<128x128xf32, #tpu.memory_space<vmem>>) dst(%dma_wait3A_58 : memref<128x128xf32, #tpu.memory_space<hbm>>)
    %add3A_59 = arith.constant 25216 : i32
    %add3A_60 = arith.addi %mul3A_2, %add3A_59 : i32
    %dma_wait3A_61 = arith.constant 0 : i32
    %dma_wait3A_62 = tpu.memref_slice %arg4[%add3A_60, %dma_wait3A_61] : memref<819200x128xf32, #tpu.memory_space<hbm>> -> memref<128x128xf32, #tpu.memory_space<hbm>>
    %dma_wait3A_63 = arith.constant 0 : i32
    %dma_wait3A_64 = tpu.memref_slice %arg4[%add3A_60, %dma_wait3A_63] : memref<819200x128xf32, #tpu.memory_space<hbm>> -> memref<128x128xf32, #tpu.memory_space<hbm>>
    tpu.wait_dma2 semaphore(%arg18 : memref<!tpu.dma_semaphore, #tpu.memory_space<semaphore_mem>>) src(%arg8 : memref<128x128xf32, #tpu.memory_space<vmem>>) dst(%dma_wait3A_64 : memref<128x128xf32, #tpu.memory_space<hbm>>)
    %add3A_65 = arith.constant 25344 : i32
    %add3A_66 = arith.addi %mul3A_2, %add3A_65 : i32
    %dma_wait3A_67 = arith.constant 0 : i32
    %dma_wait3A_68 = tpu.memref_slice %arg4[%add3A_66, %dma_wait3A_67] : memref<819200x128xf32, #tpu.memory_space<hbm>> -> memref<128x128xf32, #tpu.memory_space<hbm>>
    %dma_wait3A_69 = arith.constant 0 : i32
    %dma_wait3A_70 = tpu.memref_slice %arg4[%add3A_66, %dma_wait3A_69] : memref<819200x128xf32, #tpu.memory_space<hbm>> -> memref<128x128xf32, #tpu.memory_space<hbm>>
    tpu.wait_dma2 semaphore(%arg19 : memref<!tpu.dma_semaphore, #tpu.memory_space<semaphore_mem>>) src(%arg9 : memref<128x128xf32, #tpu.memory_space<vmem>>) dst(%dma_wait3A_70 : memref<128x128xf32, #tpu.memory_space<hbm>>)
    %add3A_71 = arith.constant 25472 : i32
    %add3A_72 = arith.addi %mul3A_2, %add3A_71 : i32
    %dma_wait3A_73 = arith.constant 0 : i32
    %dma_wait3A_74 = tpu.memref_slice %arg4[%add3A_72, %dma_wait3A_73] : memref<819200x128xf32, #tpu.memory_space<hbm>> -> memref<128x128xf32, #tpu.memory_space<hbm>>
    %dma_wait3A_75 = arith.constant 0 : i32
    %dma_wait3A_76 = tpu.memref_slice %arg4[%add3A_72, %dma_wait3A_75] : memref<819200x128xf32, #tpu.memory_space<hbm>> -> memref<128x128xf32, #tpu.memory_space<hbm>>
    tpu.wait_dma2 semaphore(%arg20 : memref<!tpu.dma_semaphore, #tpu.memory_space<semaphore_mem>>) src(%arg10 : memref<128x128xf32, #tpu.memory_space<vmem>>) dst(%dma_wait3A_76 : memref<128x128xf32, #tpu.memory_space<hbm>>)
    return
  }
}

</mosaic_0001>

<sc_bundles>
// kernel: kernel.3.cloned.1.call-start
scs
__scs_entry_jumppad:
0x0: {  	(pc) =	sbr.rel $0x88, $3  }
0x1: {  	(tag) =	ssettag $0x0;
	lr =	simm.s32 $0x1  }
0x2: {  	[smem:$0x3F9F] =	sst lr;
	_ =	strace $0xD0000000  }
0x3: {  	_ = 	snop  }
0x4: {  	_ = 	snop  }
0x5: {  	_ = 	snop  }
0x6: {  	_ = 	snop  }
0x7: {  	_ = 	snop  }
__scs_overlays_trampoline_lowered:
0x8: {  	[smem:$0x3FAE] =	sst s0  }
0x9: {  	[smem:$0x3FAF] =	sst s1  }
0xa: {  	[smem:$0x3FB0] =	sst s2  }
0xb: {  	[smem:$0x3FB1] =	sst s3  }
0xc: {  	[smem:$0x3FB2] =	sst s4  }
0xd: {  	[smem:$0x3FB3] =	sst s5  }
0xe: {  	[smem:$0x3FB4] =	sst s6  }
0xf: {  	[smem:$0x3FB5] =	sst s7  }
0x10: {  	[smem:$0x3FB6] =	sst s8  }
0x11: {  	[smem:$0x3FB7] =	sst s9;
	s0 =	simm.s32 @!p0 $0x0  }
0x12: {  	s1 =	sld [smem:$0x3F9D];
	s0 =	simm.s32 @p0 $0x1  }
0x13: {  	[smem:$0x3FB8] =	sst s0;
	s0 =	simm.s32 @!p1 $0x0  }
0x14: {  	s2 =	sld [smem:$0x3F9C];
	s0 =	simm.s32 @p1 $0x1  }
0x15: {  	[smem:$0x3FB9] =	sst s0;
	s0 =	simm.s32 @!p2 $0x0  }
0x16: {  	s3 =	sld [smem:$0x3FDB];
	s0 =	simm.s32 @p2 $0x1  }
0x17: {  	s4 =	simm.s32 $0x1BF5;
	[smem:$0x3FBB] =	sst s0  }
0x18: {  	s0 =	sld [smem:$0x3F9E];
	_ =	swait.ge [sflag:s4], $0x0  }
0x19: {  	s7 =	sld [smem:$0x3F9F]  }
0x1a: {  	s8 =	sadd.s32 $0xFFFFE003, lr  }
0x1b: {  	s9 =	sadd.s32 $0xFFFFFEF7, lr;
	s5 =	simm.s32 $0xFFFFFFFF;
	p2 =	slt.u32 s8, $0xFFFFF086  }
0x1c: {  	p1 =	slt.u32 s9, $0xF7A;
	s5 =	simm.s32 @!p2 $0x0  }
0x1d: {  	s5 =	simm.s32 @p1 $0x1;
	p0 =	seq.s32 s7, s2  }
0x1e: {  	s7 =	smul.u32 @!p0 $0xF7A, s2;
	p2 =	seq.s32 @!p0 s5, $0x0  }
0x1f: {  	s9 =	smul.u32 $0xF7A, s1;
	s8 =	simm.s32 @!p0 $0x1BF5;
	p2 =	por !p2, p0  }
0x20: {  	[sflag:s8] =	ssyncset.s32 @!p0 $0xFFFFF086;
	s6 =	sadd.s32 @!p0 s3, s7;
	s7 =	simm.s32 @!p0 $0x108  }
0x21: {  	s3 =	sadd.s32 s3, s9;
	s6 =	sadd.s32 @!p0 $0x88, s6;
	s7 =	simm.s32 @p2 $0x1082  }
0x22: {  	[simem:s7], [sflag:s8] =	dma.local @!p0 [hbm:s6], $0xF7A  }
0x23: {  	s9 =	sor.u32 $0xD0000000, s2;
	s6 =	simm.s32 $0x108;
	_ =	swait.ge @!p0 [sflag:s8], $0x0  }
0x24: {  	s3 =	sadd.s32 $0x88, s3;
	s6 =	simm.s32 @!p1 $0x1082;
	[sflag:s4] =	ssyncset.s32 $0xFFFFF086  }
0x25: {  	[simem:s6], [sflag:s4] =	dma.local [hbm:s3], $0xF7A  }
0x26: {  	[smem:$0x3F9F] =	sst s1;
	(tag) =	ssettag s2;
	_ =	strace s9  }
0x27: {  	s1 =	sld [smem:$0x3FAF]  }
0x28: {  	s2 =	sld [smem:$0x3FB0]  }
0x29: {  	s4 =	sld [smem:$0x3FB2]  }
0x2a: {  	p0 =	seq.s32 s5, $0x0;
	s5 =	sld [smem:$0x3FB3]  }
0x2b: {  	s6 =	sld [smem:$0x3FB4]  }
0x2c: {  	s7 =	sld [smem:$0x3FB5]  }
0x2d: {  	s3 =	simm.s32 $0x108;
	s8 =	sld [smem:$0x3FB6]  }
0x2e: {  	s3 =	simm.s32 @!p0 $0x1082;
	s9 =	sld [smem:$0x3FB7]  }
0x2f: {  	lr =	sadd.s32 s0, s3;
	s0 =	sld [smem:$0x3FAE]  }
0x30: {  	s3 =	sld [smem:$0x3FB1]  }
0x31: {  	[smem:$0x3FBA] =	sst s10  }
0x32: {  	s10 =	sld [smem:$0x3FB8];
	_ =	sdelay $0x3  }
0x33: {  	p0 =	seq.s32 s10, $0x1;
	s10 =	sld [smem:$0x3FBA];
	_ =	sdelay $0x3  }
0x34: {  	[smem:$0x3FBA] =	sst s10  }
0x35: {  	s10 =	sld [smem:$0x3FB9];
	_ =	sdelay $0x3  }
0x36: {  	p1 =	seq.s32 s10, $0x1;
	s10 =	sld [smem:$0x3FBA];
	_ =	sdelay $0x3  }
0x37: {  	[smem:$0x3FBA] =	sst s10  }
0x38: {  	s10 =	sld [smem:$0x3FBB]  }
0x39: {  	_ = 	snop;
	(pc) =	sbr.ind lr, $3  }
0x3a: {  	_ = 	snop  }
0x3b: {  	_ = 	snop  }
0x3c: {  	p2 =	seq.s32 s10, $0x1;
	s10 =	sld [smem:$0x3FBA]  }
0x3d: {  	_ =	shalt  }
0x3e: {  	_ =	shalt  }
0x3f: {  	_ =	shalt  }
0x40: {  	_ =	shalt  }
0x41: {  	_ =	shalt  }
0x42: {  	_ =	shalt  }
0x43: {  	_ =	shalt  }
0x44: {  	_ =	shalt  }
0x45: {  	_ =	shalt  }
0x46: {  	_ =	shalt  }
0x47: {  	_ =	shalt  }
0x48: {  	_ =	shalt  }
0x49: {  	_ =	shalt  }
0x4a: {  	_ =	shalt  }
0x4b: {  	_ =	shalt  }
0x4c: {  	_ =	shalt  }
0x4d: {  	_ =	shalt  }
0x4e: {  	_ =	shalt  }
0x4f: {  	_ =	shalt  }
0x50: {  	_ =	shalt  }
0x51: {  	_ =	shalt  }
0x52: {  	_ =	shalt  }
0x53: {  	_ =	shalt  }
0x54: {  	_ =	shalt  }
0x55: {  	_ =	shalt  }
0x56: {  	_ =	shalt  }
0x57: {  	_ =	shalt  }
0x58: {  	_ =	shalt  }
0x59: {  	_ =	shalt  }
0x5a: {  	_ =	shalt  }
0x5b: {  	_ =	shalt  }
0x5c: {  	_ =	shalt  }
0x5d: {  	_ =	shalt  }
0x5e: {  	_ =	shalt  }
0x5f: {  	_ =	shalt  }
0x60: {  	_ =	shalt  }
0x61: {  	_ =	shalt  }
0x62: {  	_ =	shalt  }
0x63: {  	_ =	shalt  }
0x64: {  	_ =	shalt  }
0x65: {  	_ =	shalt  }
0x66: {  	_ =	shalt  }
0x67: {  	_ =	shalt  }
0x68: {  	_ =	shalt  }
0x69: {  	_ =	shalt  }
0x6a: {  	_ =	shalt  }
0x6b: {  	_ =	shalt  }
0x6c: {  	_ =	shalt  }
0x6d: {  	_ =	shalt  }
0x6e: {  	_ =	shalt  }
0x6f: {  	_ =	shalt  }
0x70: {  	_ =	shalt  }
0x71: {  	_ =	shalt  }
0x72: {  	_ =	shalt  }
0x73: {  	_ =	shalt  }
0x74: {  	_ =	shalt  }
0x75: {  	_ =	shalt  }
0x76: {  	_ =	shalt  }
0x77: {  	_ =	shalt  }
0x78: {  	_ =	shalt  }
0x79: {  	_ =	shalt  }
0x7a: {  	_ =	shalt  }
0x7b: {  	_ =	shalt  }
0x7c: {  	_ =	shalt  }
0x7d: {  	_ =	shalt  }
0x7e: {  	_ =	shalt  }
0x7f: {  	_ =	shalt  }
0x80: {  	_ =	shalt  }
0x81: {  	_ =	shalt  }
0x82: {  	_ =	shalt  }
0x83: {  	_ =	shalt  }
0x84: {  	_ =	shalt  }
0x85: {  	_ =	shalt  }
0x86: {  	_ =	shalt  }
0x87: {  	_ =	shalt  }
.Lfunc_end0:
.L_simem_size_0:
called_computation_lowered:
.L_overlay_start_0:
0x88: {  	s2 =	sld [smem:$0x3FD9]  }
0x89: {  	s3 =	sld [smem:$0x3FFE];
	_ =	sdelay $0x1  }
0x8a: {  	s1 =	srdreg.scid  }
0x8b: {  	s0 =	sand.u32 $0x1, s1  }
0x8c: {  	s17 =	sshll.u32 s0, $0xA;
	s2 =	sadd.s32 s3, s2  }
0x8d: {  	s2 =	sadd.s32 s2, s17  }
0x8e: {  	[smem:$0x3FC6] =	sst s2  }
0x8f: {  	_ = 	snop  }
0x90: {  	s2 =	sld [smem:$0x3FC8]  }
0x91: {  	s18 =	sld [smem:$0x3FD0];
	(tm) =	ssettm $0x1  }
0x92: {  	s4 =	sld [smem:$0x3FFB];
	_ =	sdelay $0x3  }
0x93: {  	_ =	strace s4  }
0x94: {  	s4 =	sld [smem:$0x3FFC];
	_ =	sdelay $0x3  }
0x95: {  	_ =	strace s4  }
0x96: {  	s4 =	sld [smem:$0x3FFD];
	_ =	sdelay $0x3  }
0x97: {  	_ =	strace s4  }
0x98: {  	_ =	strace $0x8FFFFFFF  }
0x99: {  	s19 =	sld [smem:$0x3FDB];
	_ =	sdelay $0x1  }
0x9a: {  	s5 =	simm.s32 $_scs_section_size  }
0x9b: {  	s6 =	simm.s32 $_size__tile_overlayer_lowered;
	s7 =	simm.s32 $_tile_overlayer_lowered  }
0x9c: {  	s22 =	simm.s32 $0x1BFF;
	s21 =	sshll.u32 s7, $0x1;
	s4 =	sadd.s32 s5, s19  }
0x9d: {  	s8 =	simm.s32 $0x0;
	s20 =	sshll.u32 s6, $0x1;
	s6 =	sadd.s32 s21, s4  }
0x9e: {  	[timem:s8], [sflag:s22] =	dma.local [hbm:s6], s20  }
0x9f: {  	_ =	swait.ge [sflag:s22], s20  }
0xa0: {  	s5 =	ssub.s32 $0x0, s20;
	[sflag:s22] =	ssyncset.done $0x0  }
0xa1: {  	[sflag:s22] =	ssyncadd.s32 s5;
	_ =	sdelay $0x1  }
0xa2: {  	s23 =	simm.s32 $0x1B8B  }
0xa3: {  	_ =	swait.ge [sflag:s23], $0x1  }
0xa4: {  	[sflag:s23] =	ssyncset.done $0x0  }
0xa5: {  	s25 =	simm.s32 $0x1B8E;
	s24 =	sld [smem:$0x3FFE];
	[sflag:s23] =	ssyncadd.s32 $0xFFFFFFFF  }
0xa6: {  	s26 =	simm.s32 $execute0_lowered;
	[smem:$0x3FD2] =	sst s25  }
0xa7: {  	s6 =	sshll.u32 s26, $0x1;
	_ =	strace $0x80000046;
	[dreg:$0x1] =	wrdreg $0xFFFFFFFF  }
0xa8: {  	s28 =	simm.s32 $_size_execute0_lowered;
	s4 =	sadd.s32 s4, s6;
	[dreg:$0x0] =	wrdreg $0x0  }
0xa9: {  	s6 =	sshll.u32 s28, $0x1;
	[dreg:$0x2] =	wrdreg s4  }
0xaa: {  	[dreg:$0x3] =	wrdreg s6  }
0xab: {  	[dreg:$0x4] =	wrdreg $0xC0  }
0xac: {  	_ =	task [dreg:s8], $0x5FFFF  }
0xad: {  	[dreg:$0x1] =	wrdreg $0xFFFFFFFF  }
0xae: {  	[dreg:$0x0] =	wrdreg $0x60  }
0xaf: {  	[dreg:$0x2] =	wrdreg s2  }
0xb0: {  	[dreg:$0x3] =	wrdreg s24  }
0xb1: {  	[dreg:$0x4] =	wrdreg s18  }
0xb2: {  	[dreg:$0x5] =	wrdreg $0x9  }
0xb3: {  	_ =	task.clear_ibuf [dreg:s8], $0x6FFFF;
	_ =	strace $0x90000046  }
0xb4: {  	s29 =	simm.s32 $0x9;
	_ =	strace $0x80000048  }
0xb5: {  	_ =	swait.ge [sflag:s29], $0x1  }
0xb6: {  	[sflag:s29] =	ssyncadd.s32 $0xFFFFFFFF  }
0xb7: {  	_ =	strace $0x90000048  }
0xb8: {  	_ =	sfence  }
0xb9: {  	s30 =	sld [smem:$0x0];
	_ =	sdelay $0x2  }
0xba: {  	s31 =	sshll.u32 s1, $0xD;
	s1 =	sshrl.u32 s1, $0x2  }
0xbb: {  	s3 =	sand.u32 $0x4000, s31;
	s1 =	sadd.s32 s1, s30  }
0xbc: {  	s0 =	sor.u32 s3, s0;
	s1 =	sshll.u32 s1, $0x11  }
0xbd: {  	s0 =	sor.u32 s1, s0  }
0xbe: {  	s0 =	sadd.s32 $0x8F2B, s0  }
0xbf: {  	[sflag:s0] =	ssyncadd.remote.s32 $0x1  }
0xc0: {  	_ =	sfence.sel $0xFFFF  }
0xc1: {  	[dreg:$0x0] =	wrdreg $0xFFFFFFFF;
	(pc) =	sbr.abs _section_cstart, $3  }
0xc2: {  	[dreg:$0x1] =	wrdreg $0xFFFFFFFF  }
0xc3: {  	_ =	task.clear_ibuf [dreg:s8], $0x2FFFF;
	_ =	strace $0x9FFFFFFF  }
0xc4: {  	(tm) =	ssettm $0x7FFFFFFF  }
0xc5: {  	_ =	shalt  }
tec
execute0_lowered:
.L_overlay_start_1:
0x0: {  	(tag) =	ssettag $0x1  }
0x1: {  	s1 =	rddreg [dreg:$0x0]  }
0x2: {  	s2 =	rddreg [dreg:$0x1]  }
0x3: {  	s3 =	srdreg.scid;
	s0 =	stileid.u32  }
0x4: {  	s4 =	rddreg [dreg:$0x2];
	s13 =	simm.s32 $0xE400;
	s14 =	simm.s32 $0x180  }
0x5: {  	s15 =	simm.s32 $0x12400;
	s16 =	simm.s32 $0x200;
	s17 =	simm.s32 $0x16400  }
0x6: {  	s18 =	simm.s32 $0x400;
	s19 =	simm.s32 $0x1;
	s20 =	simm.s32 $0x2  }
0x7: {  	s21 =	simm.s32 $0x3;
	s22 =	simm.s32 $0x4;
	s23 =	simm.s32 $0x5  }
0x8: {  	s24 =	simm.s32 $0x6;
	s28 =	simm.s32 $0x9;
	s29 =	simm.s32 $0xA  }
0x9: {  	s30 =	simm.s32 $0x0;
	s5 =	sand.u32 $0x1, s3;
	s6 =	sshll.u32 s0, $0x1  }
0xa: {  	s3 =	simm.s32 $0x0;
	s2 =	sadd.s32 $0x400, s2;
	s9 =	smul.u32 $0xC8000, s0  }
0xb: {  	s6 =	sor.u32 s5, s6;
	[smem:$0x7FF] =	sst s3;
	s11 =	smul.u32 $0x64000, s5  }
0xc: {  	s8 =	ssub.s32 $0x2, s5;
	s7 =	smul.u32 $0x6400, s6;
	_ =	strace $0x80000047  }
0xd: {  	s6 =	smul.u32 $0xC80, s6;
	s10 =	sshrl.u32 s8, $0x1;
	s26 =	sadd.s32 s9, s4  }
.Ltmp0:
0xe: {  	s9 =	simm.s32 $0x80;
	s8 =	ssub.s32 s8, s10;
	(pc) =	sbr.rel .LBB2_1-.Ltmp0, $4  }
0xf: {  	s31 =	sadd.s32 s11, s26;
	s10 =	simm.s32 $0x6400;
	s11 =	simm.s32 $0xA400  }
0x10: {  	s26 =	simm.s32 $0x8;
	s7 =	sshrl.u32 s7, $0x3;
	s4 =	sadd.s32 s2, s6  }
0x11: {  	s6 =	smax.u32 s8, $0x1;
	s8 =	simm.s32 $0xB;
	s25 =	sadd.s32 s2, s7  }
0x12: {  	s7 =	sadd.s32 $0x2000, s31;
	s5 =	sadd.s32 $0x80, s25;
	s25 =	simm.s32 $0x7  }
.LBB2_4:
0x13: {  	_ =	swait.ge [sflag:s25], $0x4000  }
0x14: {  	[sflag:s25] =	ssyncset.done $0x0  }
0x15: {  	[sflag:s25] =	ssyncadd.s32 $0xFFFFC000  }
0x16: {  	_ =	swait.ge [sflag:s26], $0x4000  }
0x17: {  	[sflag:s26] =	ssyncset.done $0x0  }
0x18: {  	s30 =	sadd.s32 $0x1, s30;
	[sflag:s26] =	ssyncadd.s32 $0xFFFFC000  }
0x19: {  	p0 =	sne.s32 s30, s6;
	_ =	swait.ge [sflag:s28], $0x4000  }
.Ltmp1:
0x1a: {  	[sflag:s28] =	ssyncset.done $0x0;
	(pc) =	sbr.rel @!p0 .LBB2_5-.Ltmp1, $4  }
0x1b: {  	[sflag:s28] =	ssyncadd.s32 $0xFFFFC000  }
0x1c: {  	_ =	swait.ge [sflag:s29], $0x4000  }
0x1d: {  	[sflag:s29] =	ssyncset.done $0x0  }
0x1e: {  	[sflag:s29] =	ssyncadd.s32 $0xFFFFC000  }
.LBB2_1:
0x1f: {  	[tilespmem:s3], [sflag:$0xB] =	stream.linear.gather [hbm4b:s4+s3], $0x400, $0x38;
	[tilespmem:$0x1A400] =	vst v63  }
0x20: {  	_ =	swait.ge [sflag:s8], $0x400  }
0x21: {  	[sflag:s8] =	ssyncset.done $0x0  }
0x22: {  	[sflag:s8] =	ssyncadd.s32 $0xFFFFFC00  }
0x23: {  	[tilespmem:s10], [sflag:$0x1] =	stream.indirect.gather [hbm4b:s1+s9], $0x80, s3, s9, $0xb8;
	[tilespmem:$0x1A400] =	vst v63  }
0x24: {  	_ = 	snop  }
0x25: {  	[tilespmem:s11], [sflag:$0x2] =	stream.indirect.gather [hbm4b:s1+s9], $0x80, s9, s9, $0xb8;
	[tilespmem:$0x1A400] =	vst v63  }
0x26: {  	s0 =	simm.s32 $0x100  }
0x27: {  	[tilespmem:s13], [sflag:$0x3] =	stream.indirect.gather [hbm4b:s1+s9], $0x80, s0, s9, $0xb8;
	[tilespmem:$0x1A400] =	vst v63  }
0x28: {  	_ = 	snop  }
0x29: {  	[tilespmem:s15], [sflag:$0x4] =	stream.indirect.gather [hbm4b:s1+s9], $0x80, s14, s9, $0xb8;
	[tilespmem:$0x1A400] =	vst v63  }
0x2a: {  	_ = 	snop  }
0x2b: {  	[tilespmem:s17], [sflag:$0x5] =	stream.indirect.gather [hbm4b:s1+s9], $0x80, s16, s9, $0xb8;
	[tilespmem:$0x1A400] =	vst v63  }
0x2c: {  	_ = 	snop  }
0x2d: {  	[tilespmem:s18], [sflag:$0xB] =	stream.linear.gather [hbm4b:s5+s3], $0x6000, $0x38;
	[tilespmem:$0x1A400] =	vst v63  }
0x2e: {  	_ =	swait.ge [sflag:s8], $0x6000  }
0x2f: {  	[sflag:s8] =	ssyncset.done $0x0  }
0x30: {  	s31 =	smov.u32 s7;
	s2 =	simm.s32 $0x0;
	[sflag:s8] =	ssyncadd.s32 $0xFFFFA000  }
.LBB2_2:
0x31: {  	_ =	swait.ge [sflag:s19], $0x4000  }
0x32: {  	[sflag:s19] =	ssyncset.done $0x0  }
0x33: {  	s0 =	sadd.s32 $0xFFFFE000, s31;
	[sflag:s19] =	ssyncadd.s32 $0xFFFFC000  }
0x34: {  	[hbm4b:s0+s3] =	stream.linear.scatter [tilespmem:s10], [sflag:$0x6], $0x4000, $0x38;
	[tilespmem:$0x1A400] =	vst v63  }
0x35: {  	_ =	swait.ge [sflag:s20], $0x4000  }
0x36: {  	[sflag:s20] =	ssyncset.done $0x0  }
0x37: {  	s12 =	sadd.s32 $0xFFFFE800, s31;
	[sflag:s20] =	ssyncadd.s32 $0xFFFFC000  }
0x38: {  	[hbm4b:s12+s3] =	stream.linear.scatter [tilespmem:s11], [sflag:$0x7], $0x4000, $0x38;
	[tilespmem:$0x1A400] =	vst v63  }
0x39: {  	_ =	swait.ge [sflag:s21], $0x4000  }
0x3a: {  	[sflag:s21] =	ssyncset.done $0x0  }
0x3b: {  	s12 =	sadd.s32 $0xFFFFF000, s31;
	[sflag:s21] =	ssyncadd.s32 $0xFFFFC000  }
0x3c: {  	[hbm4b:s12+s3] =	stream.linear.scatter [tilespmem:s13], [sflag:$0x8], $0x4000, $0x38;
	[tilespmem:$0x1A400] =	vst v63  }
0x3d: {  	_ =	swait.ge [sflag:s22], $0x4000  }
0x3e: {  	[sflag:s22] =	ssyncset.done $0x0  }
0x3f: {  	s12 =	sadd.s32 $0xFFFFF800, s31;
	[sflag:s22] =	ssyncadd.s32 $0xFFFFC000  }
0x40: {  	[hbm4b:s12+s3] =	stream.linear.scatter [tilespmem:s15], [sflag:$0x9], $0x4000, $0x38;
	[tilespmem:$0x1A400] =	vst v63  }
0x41: {  	_ =	swait.ge [sflag:s23], $0x4000  }
0x42: {  	p0 =	seq.s32 s2, $0x18600;
	[sflag:s23] =	ssyncset.done $0x0  }
.Ltmp2:
0x43: {  	[sflag:s23] =	ssyncadd.s32 $0xFFFFC000;
	(pc) =	sbr.rel @p0 .LBB2_4-.Ltmp2, $4  }
0x44: {  	[hbm4b:s31+s3] =	stream.linear.scatter [tilespmem:s17], [sflag:$0xA], $0x4000, $0x38;
	[tilespmem:$0x1A400] =	vst v63  }
0x45: {  	_ =	swait.ge [sflag:s24], $0x4000  }
0x46: {  	[sflag:s24] =	ssyncset.done $0x0  }
0x47: {  	[sflag:s24] =	ssyncadd.s32 $0xFFFFC000  }
0x48: {  	s0 =	sshra.s32 s2, $0x2  }
0x49: {  	s12 =	sadd.s32 $0x280, s0  }
0x4a: {  	[tilespmem:s10], [sflag:$0x1] =	stream.indirect.gather [hbm4b:s1+s9], $0x80, s12, s9, $0xb8;
	[tilespmem:$0x1A400] =	vst v63  }
0x4b: {  	_ =	swait.ge [sflag:s25], $0x4000  }
0x4c: {  	[sflag:s25] =	ssyncset.done $0x0  }
0x4d: {  	s12 =	sadd.s32 $0x300, s0;
	[sflag:s25] =	ssyncadd.s32 $0xFFFFC000  }
0x4e: {  	[tilespmem:s11], [sflag:$0x2] =	stream.indirect.gather [hbm4b:s1+s9], $0x80, s12, s9, $0xb8;
	[tilespmem:$0x1A400] =	vst v63  }
0x4f: {  	_ =	swait.ge [sflag:s26], $0x4000  }
0x50: {  	[sflag:s26] =	ssyncset.done $0x0  }
0x51: {  	s12 =	sadd.s32 $0x380, s0;
	[sflag:s26] =	ssyncadd.s32 $0xFFFFC000  }
0x52: {  	[tilespmem:s13], [sflag:$0x3] =	stream.indirect.gather [hbm4b:s1+s9], $0x80, s12, s9, $0xb8;
	[tilespmem:$0x1A400] =	vst v63  }
0x53: {  	_ =	swait.ge [sflag:s28], $0x4000  }
0x54: {  	[sflag:s28] =	ssyncset.done $0x0  }
0x55: {  	s12 =	sadd.s32 $0x400, s0;
	[sflag:s28] =	ssyncadd.s32 $0xFFFFC000  }
0x56: {  	[tilespmem:s15], [sflag:$0x4] =	stream.indirect.gather [hbm4b:s1+s9], $0x80, s12, s9, $0xb8;
	[tilespmem:$0x1A400] =	vst v63  }
.Ltmp3:
0x57: {  	_ = 	snop;
	(pc) =	sbr.rel .LBB2_2-.Ltmp3, $4  }
0x58: {  	_ =	swait.ge [sflag:s29], $0x4000  }
0x59: {  	s2 =	sadd.s32 $0xA00, s2;
	[sflag:s29] =	ssyncset.done $0x0  }
0x5a: {  	s31 =	sadd.s32 $0x2800, s31;
	s0 =	sadd.s32 $0x480, s0;
	[sflag:s29] =	ssyncadd.s32 $0xFFFFC000  }
0x5b: {  	[tilespmem:s17], [sflag:$0x5] =	stream.indirect.gather [hbm4b:s1+s9], $0x80, s0, s9, $0xb8;
	[tilespmem:$0x1A400] =	vst v63  }
.LBB2_5:
0x5c: {  	_ =	sfence.sel $0x180000  }
0x5d: {  	[bflag:$0x0] =	sbarrier.arrive $0xFFFF  }
0x5e: {  	_ =	strace $0x90000047  }
0x5f: {  	s0 =	stileid.u32;
	[bflag:$0x2] =	sbarrier.arrive $0xFFFF  }
0x60: {  	p0 =	sne.s32 s0, $0x0;
	s0 =	rddreg [dreg:$0x3]  }
0x61: {  	s0 =	sadd.s32 @!p0 $0x100000, s0  }
0x62: {  	[sflag:s0] =	ssyncadd.tile.s32 @!p0 $0x1;
	_ =	shalt  }
.Lfunc_end2:
_tile_overlayer_lowered:
.L_overlay_start_2:
0x63: {  	(tag) =	ssettag $0x2  }
0x64: {  	s0 =	rddreg [dreg:$0x0];
	s2 =	stileid.u32  }
0x65: {  	s1 =	rddreg [dreg:$0x1];
	p0 =	sne.s32 s2, $0x0  }
0x66: {  	s3 =	rddreg [dreg:$0x2];
	[bflag:$0x3] =	sbarrier.arrive $0xFFFF;
	s2 =	simm.s32 @!p0 $0x1C0B  }
0x67: {  	[timem:s3], [sflag:s2] =	dma.local @!p0 [hbm:s0], s1  }
0x68: {  	s0 =	simm.s32 @!p0 $0xB  }
0x69: {  	_ =	swait.ge @!p0 [sflag:s0], s1  }
0x6a: {  	s1 =	ssub.s32 @!p0 $0x0, s1;
	[sflag:s0] =	ssyncset.done @!p0 $0x0  }
0x6b: {  	[sflag:s0] =	ssyncadd.s32 @!p0 s1  }
0x6c: {  	[bflag:$0x3] =	sbarrier.arrive $0xFFFF  }
0x6d: {  	_ =	shalt  }

</sc_bundles>
